<compile_context>
chip_gen: v7x
topology: tpu7x:2x2x1
jax: 0.10.2.dev20260603
libtpu: 0.0.44.dev20260713+nightly
codegen_flags: <defaults>
</compile_context>

<pallas_src>
import jax
import jax.numpy as jnp
from jax import lax
from jax.experimental import pallas as pl
from jax.experimental.pallas import tpu as pltpu
from jax.experimental.pallas import tpu_sc as plsc

NC = 2
NS = 16
L = 16
NW = NC * NS
BATCH = 16384
BPW = BATCH // NW

VALUE_RANGE = 4.0
A_RANGE = 4.0
DCONST = 1.702


def _irt_body(uid_hbm, qid_hbm, th_hbm, a_hbm, b_hbm, c_hbm, out_hbm,
              uid_v, qid_v, th_v, a_v, b_v, c_v, out_v, sem):
    wid = lax.axis_index("s") * NC + lax.axis_index("c")
    base = wid * BPW

    pltpu.sync_copy(uid_hbm.at[pl.ds(base, BPW)], uid_v)
    pltpu.sync_copy(qid_hbm.at[pl.ds(base, BPW)], qid_v)

    g1 = pltpu.async_copy(th_hbm.at[uid_v], th_v, sem)
    g2 = pltpu.async_copy(a_hbm.at[qid_v], a_v, sem)
    g3 = pltpu.async_copy(b_hbm.at[qid_v], b_v, sem)
    g4 = pltpu.async_copy(c_hbm.at[qid_v], c_v, sem)
    g1.wait()
    g2.wait()
    g3.wait()
    g4.wait()

    one = jnp.full((L,), 1.0, jnp.float32)
    k = jnp.full((L,), DCONST * A_RANGE * VALUE_RANGE, jnp.float32)

    @plsc.parallel_loop(0, BPW, step=L, unroll=4)
    def _(i):
        sl = pl.ds(i, L)
        eth = jnp.exp(-th_v[sl])
        ea = jnp.exp(-a_v[sl])
        eb = jnp.exp(-b_v[sl])
        ec = jnp.exp(-c_v[sl])
        arg = k * (eb - eth) / ((one + ea) * ((one + eth) * (one + eb)))
        ez = jnp.exp(-arg)
        out_v[sl] = (one + ez + ec) / ((one + ec) * (one + ez))

    pltpu.sync_copy(out_v, out_hbm.at[pl.ds(base, BPW)])


def kernel(user_id, question_id, theta_table, a_table, b_table, c_table):
    uid = user_id.astype(jnp.int32)
    qid = question_id.astype(jnp.int32)
    th = theta_table.reshape(-1)
    a = a_table.reshape(-1)
    b = b_table.reshape(-1)
    c = c_table.reshape(-1)

    mesh = plsc.VectorSubcoreMesh(core_axis_name="c", subcore_axis_name="s")
    f = pl.kernel(
        _irt_body,
        out_type=jax.ShapeDtypeStruct((BATCH,), jnp.float32),
        mesh=mesh,
        scratch_types=[
            pltpu.VMEM((BPW,), jnp.int32),
            pltpu.VMEM((BPW,), jnp.int32),
            pltpu.VMEM((BPW,), jnp.float32),
            pltpu.VMEM((BPW,), jnp.float32),
            pltpu.VMEM((BPW,), jnp.float32),
            pltpu.VMEM((BPW,), jnp.float32),
            pltpu.VMEM((BPW,), jnp.float32),
            pltpu.SemaphoreType.DMA,
        ],
    )
    return f(uid, qid, th, a, b, c)

# --- scband reference (transcript-rebuilt; emitter-appended) ---
"""Pipeline reference for scband-irt-36567351558912 (READ-ONLY COPY).

The authoritative reference and input builder live on the scoring server;
editing this copy changes nothing except your own understanding.
"""

import jax, jax.numpy as jnp
import numpy as np

NUM_USER = 100000
NUM_QUESTION = 100000
VALUE_RANGE = 4.0
A_RANGE = 4.0
D = 1.702
BATCH = 16384


def setup_inputs(seed: int = 0) -> dict:
    key = jax.random.key(seed)
    k1, k2, k3, k4, k5, k6 = jax.random.split(key, 6)
    user_id = jax.random.randint(k1, (BATCH,), 0, NUM_USER)
    question_id = jax.random.randint(k2, (BATCH,), 0, NUM_QUESTION)
    theta_table = jax.random.normal(k3, (NUM_USER, 1), dtype=jnp.float32)
    a_table = jax.random.normal(k4, (NUM_QUESTION, 1), dtype=jnp.float32)
    b_table = jax.random.normal(k5, (NUM_QUESTION, 1), dtype=jnp.float32)
    c_table = jax.random.normal(k6, (NUM_QUESTION, 1), dtype=jnp.float32)
    return {
        'user_id': user_id,
        'question_id': question_id,
        'theta_table': theta_table,
        'a_table': a_table,
        'b_table': b_table,
        'c_table': c_table,
    }


def reference(user_id, question_id, theta_table, a_table, b_table, c_table):
    # Embedding lookups (gather), then squeeze last dim
    theta = jnp.squeeze(jnp.take(theta_table, user_id, axis=0), axis=-1)
    a = jnp.squeeze(jnp.take(a_table, question_id, axis=0), axis=-1)
    b = jnp.squeeze(jnp.take(b_table, question_id, axis=0), axis=-1)
    c = jnp.squeeze(jnp.take(c_table, question_id, axis=0), axis=-1)
    c = jax.nn.sigmoid(c)
    # value_range > 0 branch
    theta = VALUE_RANGE * (jax.nn.sigmoid(theta) - 0.5)
    b = VALUE_RANGE * (jax.nn.sigmoid(b) - 0.5)
    # a_range > 0 branch
    a = A_RANGE * jax.nn.sigmoid(a)
    return c + (1.0 - c) / (1.0 + jnp.exp(-D * a * (theta - b)))

if __name__ == "__main__":
    import jax
    _d = setup_inputs()
    print(jax.jit(kernel)(*tuple(_d.values())))

</pallas_src>

<mosaic_0001>
#map = affine_map<(d0, d1) -> (0)>
module attributes {stable_mosaic.version = 14 : i64} {
  func.func @_irt_body(%arg0: i32, %arg1: i32, %arg2: memref<16384xi32, #tpu.memory_space<hbm>>, %arg3: memref<16384xi32, #tpu.memory_space<hbm>>, %arg4: memref<100000xf32, #tpu.memory_space<hbm>>, %arg5: memref<100000xf32, #tpu.memory_space<hbm>>, %arg6: memref<100000xf32, #tpu.memory_space<hbm>>, %arg7: memref<100000xf32, #tpu.memory_space<hbm>>, %arg8: memref<16384xf32, #tpu.memory_space<hbm>>, %arg9: memref<512xi32, #tpu.memory_space<vmem>>, %arg10: memref<512xi32, #tpu.memory_space<vmem>>, %arg11: memref<512xf32, #tpu.memory_space<vmem>>, %arg12: memref<512xf32, #tpu.memory_space<vmem>>, %arg13: memref<512xf32, #tpu.memory_space<vmem>>, %arg14: memref<512xf32, #tpu.memory_space<vmem>>, %arg15: memref<512xf32, #tpu.memory_space<vmem>>, %arg16: memref<!tpu.dma_semaphore, #tpu.memory_space<semaphore_mem>>) attributes {dimension_semantics = [#tpu.dimension_semantics<core_parallel>, #tpu.dimension_semantics<subcore_parallel>], iteration_bounds = array<i64: 2, 16>, scalar_prefetch = 0 : i64, scratch_operands = 8 : i64, tpu.core_type = #tpu.core_type<sc_vector_subcore>, window_params = [{transform_indices = #map}, {transform_indices = #map}, {transform_indices = #map}, {transform_indices = #map}, {transform_indices = #map}, {transform_indices = #map}, {transform_indices = #map}]} {
    %mul3A = arith.constant 2 : i32
    %mul3A_0 = arith.muli %arg1, %mul3A : i32
    %add3A = arith.addi %mul3A_0, %arg0 : i32
    %mul3A_1 = arith.constant 512 : i32
    %mul3A_2 = arith.muli %add3A, %mul3A_1 : i32
    "tpu.region"() ({
      %run_scoped3A = tpu.sem_alloc : memref<!tpu.dma_semaphore, #tpu.memory_space<semaphore_mem>>
      %dma_start3A_22 = tpu.memref_slice %arg2[%mul3A_2] : memref<16384xi32, #tpu.memory_space<hbm>> -> memref<512xi32, #tpu.memory_space<hbm>>
      %dma_start3A_23 = tpu.memref_slice %arg2[%mul3A_2] : memref<16384xi32, #tpu.memory_space<hbm>> -> memref<512xi32, #tpu.memory_space<hbm>>
      tpu.enqueue_dma source(%dma_start3A_23 : memref<512xi32, #tpu.memory_space<hbm>>) target(%arg9 : memref<512xi32, #tpu.memory_space<vmem>>) target_semaphore(%run_scoped3A : memref<!tpu.dma_semaphore, #tpu.memory_space<semaphore_mem>>)
      %dma_wait3A_24 = tpu.memref_slice %arg2[%mul3A_2] : memref<16384xi32, #tpu.memory_space<hbm>> -> memref<512xi32, #tpu.memory_space<hbm>>
      %dma_wait3A_25 = tpu.memref_slice %arg2[%mul3A_2] : memref<16384xi32, #tpu.memory_space<hbm>> -> memref<512xi32, #tpu.memory_space<hbm>>
      tpu.wait_dma2 semaphore(%run_scoped3A : memref<!tpu.dma_semaphore, #tpu.memory_space<semaphore_mem>>) src(%dma_wait3A_25 : memref<512xi32, #tpu.memory_space<hbm>>) dst(%arg9 : memref<512xi32, #tpu.memory_space<vmem>>)
      tpu.yield
    }) : () -> ()
    "tpu.region"() ({
      %run_scoped3A = tpu.sem_alloc : memref<!tpu.dma_semaphore, #tpu.memory_space<semaphore_mem>>
      %dma_start3A_22 = tpu.memref_slice %arg3[%mul3A_2] : memref<16384xi32, #tpu.memory_space<hbm>> -> memref<512xi32, #tpu.memory_space<hbm>>
      %dma_start3A_23 = tpu.memref_slice %arg3[%mul3A_2] : memref<16384xi32, #tpu.memory_space<hbm>> -> memref<512xi32, #tpu.memory_space<hbm>>
      tpu.enqueue_dma source(%dma_start3A_23 : memref<512xi32, #tpu.memory_space<hbm>>) target(%arg10 : memref<512xi32, #tpu.memory_space<vmem>>) target_semaphore(%run_scoped3A : memref<!tpu.dma_semaphore, #tpu.memory_space<semaphore_mem>>)
      %dma_wait3A_24 = tpu.memref_slice %arg3[%mul3A_2] : memref<16384xi32, #tpu.memory_space<hbm>> -> memref<512xi32, #tpu.memory_space<hbm>>
      %dma_wait3A_25 = tpu.memref_slice %arg3[%mul3A_2] : memref<16384xi32, #tpu.memory_space<hbm>> -> memref<512xi32, #tpu.memory_space<hbm>>
      tpu.wait_dma2 semaphore(%run_scoped3A : memref<!tpu.dma_semaphore, #tpu.memory_space<semaphore_mem>>) src(%dma_wait3A_25 : memref<512xi32, #tpu.memory_space<hbm>>) dst(%arg10 : memref<512xi32, #tpu.memory_space<vmem>>)
      tpu.yield
    }) : () -> ()
    %dma_start3A = arith.constant 0 : i32
    %dma_start3A_3 = tpu.memref_slice %arg4[%dma_start3A] : memref<100000xf32, #tpu.memory_space<hbm>> -> memref<100000xf32, #tpu.memory_space<hbm>>
    tpu.enqueue_indirect_dma source(%dma_start3A_3 : memref<100000xf32, #tpu.memory_space<hbm>>) target(%arg11 : memref<512xf32, #tpu.memory_space<vmem>>) offsets(%arg9 : memref<512xi32, #tpu.memory_space<vmem>>) semaphore(%arg16 : memref<!tpu.dma_semaphore, #tpu.memory_space<semaphore_mem>>)
    %dma_start3A_4 = arith.constant 0 : i32
    %dma_start3A_5 = tpu.memref_slice %arg5[%dma_start3A_4] : memref<100000xf32, #tpu.memory_space<hbm>> -> memref<100000xf32, #tpu.memory_space<hbm>>
    tpu.enqueue_indirect_dma source(%dma_start3A_5 : memref<100000xf32, #tpu.memory_space<hbm>>) target(%arg12 : memref<512xf32, #tpu.memory_space<vmem>>) offsets(%arg10 : memref<512xi32, #tpu.memory_space<vmem>>) semaphore(%arg16 : memref<!tpu.dma_semaphore, #tpu.memory_space<semaphore_mem>>)
    %dma_start3A_6 = arith.constant 0 : i32
    %dma_start3A_7 = tpu.memref_slice %arg6[%dma_start3A_6] : memref<100000xf32, #tpu.memory_space<hbm>> -> memref<100000xf32, #tpu.memory_space<hbm>>
    tpu.enqueue_indirect_dma source(%dma_start3A_7 : memref<100000xf32, #tpu.memory_space<hbm>>) target(%arg13 : memref<512xf32, #tpu.memory_space<vmem>>) offsets(%arg10 : memref<512xi32, #tpu.memory_space<vmem>>) semaphore(%arg16 : memref<!tpu.dma_semaphore, #tpu.memory_space<semaphore_mem>>)
    %dma_start3A_8 = arith.constant 0 : i32
    %dma_start3A_9 = tpu.memref_slice %arg7[%dma_start3A_8] : memref<100000xf32, #tpu.memory_space<hbm>> -> memref<100000xf32, #tpu.memory_space<hbm>>
    tpu.enqueue_indirect_dma source(%dma_start3A_9 : memref<100000xf32, #tpu.memory_space<hbm>>) target(%arg14 : memref<512xf32, #tpu.memory_space<vmem>>) offsets(%arg10 : memref<512xi32, #tpu.memory_space<vmem>>) semaphore(%arg16 : memref<!tpu.dma_semaphore, #tpu.memory_space<semaphore_mem>>)
    %dma_wait3A = arith.constant 0 : i32
    %dma_wait3A_10 = tpu.memref_slice %arg4[%dma_wait3A] : memref<100000xf32, #tpu.memory_space<hbm>> -> memref<100000xf32, #tpu.memory_space<hbm>>
    tpu.wait_indirect_dma semaphore(%arg16 : memref<!tpu.dma_semaphore, #tpu.memory_space<semaphore_mem>>) src(%dma_wait3A_10 : memref<100000xf32, #tpu.memory_space<hbm>>) dst(%arg11 : memref<512xf32, #tpu.memory_space<vmem>>)
    %dma_wait3A_11 = arith.constant 0 : i32
    %dma_wait3A_12 = tpu.memref_slice %arg5[%dma_wait3A_11] : memref<100000xf32, #tpu.memory_space<hbm>> -> memref<100000xf32, #tpu.memory_space<hbm>>
    tpu.wait_indirect_dma semaphore(%arg16 : memref<!tpu.dma_semaphore, #tpu.memory_space<semaphore_mem>>) src(%dma_wait3A_12 : memref<100000xf32, #tpu.memory_space<hbm>>) dst(%arg12 : memref<512xf32, #tpu.memory_space<vmem>>)
    %dma_wait3A_13 = arith.constant 0 : i32
    %dma_wait3A_14 = tpu.memref_slice %arg6[%dma_wait3A_13] : memref<100000xf32, #tpu.memory_space<hbm>> -> memref<100000xf32, #tpu.memory_space<hbm>>
    tpu.wait_indirect_dma semaphore(%arg16 : memref<!tpu.dma_semaphore, #tpu.memory_space<semaphore_mem>>) src(%dma_wait3A_14 : memref<100000xf32, #tpu.memory_space<hbm>>) dst(%arg13 : memref<512xf32, #tpu.memory_space<vmem>>)
    %dma_wait3A_15 = arith.constant 0 : i32
    %dma_wait3A_16 = tpu.memref_slice %arg7[%dma_wait3A_15] : memref<100000xf32, #tpu.memory_space<hbm>> -> memref<100000xf32, #tpu.memory_space<hbm>>
    tpu.wait_indirect_dma semaphore(%arg16 : memref<!tpu.dma_semaphore, #tpu.memory_space<semaphore_mem>>) src(%dma_wait3A_16 : memref<100000xf32, #tpu.memory_space<hbm>>) dst(%arg14 : memref<512xf32, #tpu.memory_space<vmem>>)
    %broadcast_in_dim3A = arith.constant 1.000000e+00 : f32
    %broadcast_in_dim3A_17 = vector.broadcast %broadcast_in_dim3A : f32 to vector<16xf32>
    %broadcast_in_dim3A_18 = arith.constant 2.723200e+01 : f32
    %broadcast_in_dim3A_19 = vector.broadcast %broadcast_in_dim3A_18 : f32 to vector<16xf32>
    %parallel_loop3A = arith.constant 0 : i32
    %parallel_loop3A_20 = arith.constant 512 : i32
    %parallel_loop3A_21 = arith.constant 16 : i32
    scf.for %parallel_loop3A_22 = %parallel_loop3A to %parallel_loop3A_20 step %parallel_loop3A_21  : i32 {
      %parallel_loop3A_23 = arith.index_cast %parallel_loop3A_22 : i32 to index
      %parallel_loop3A_24 = tpu.vector_load %arg11[%parallel_loop3A_23] {strides = array<i32>} : memref<512xf32, #tpu.memory_space<vmem>>, vector<16xf32>,
      %parallel_loop3A_25 = vector.shape_cast %parallel_loop3A_24 : vector<16xf32> to vector<16xf32>
      %parallel_loop3A_26 = arith.constant 0.000000e+00 : f32
      %parallel_loop3A_27 = vector.broadcast %parallel_loop3A_26 : f32 to vector<16xf32>
      %parallel_loop3A_28 = arith.subf %parallel_loop3A_27, %parallel_loop3A_25 : vector<16xf32>
      %parallel_loop3A_29 = math.exp %parallel_loop3A_28 : vector<16xf32>
      %parallel_loop3A_30 = arith.index_cast %parallel_loop3A_22 : i32 to index
      %parallel_loop3A_31 = tpu.vector_load %arg12[%parallel_loop3A_30] {strides = array<i32>} : memref<512xf32, #tpu.memory_space<vmem>>, vector<16xf32>,
      %parallel_loop3A_32 = vector.shape_cast %parallel_loop3A_31 : vector<16xf32> to vector<16xf32>
      %parallel_loop3A_33 = arith.constant 0.000000e+00 : f32
      %parallel_loop3A_34 = vector.broadcast %parallel_loop3A_33 : f32 to vector<16xf32>
      %parallel_loop3A_35 = arith.subf %parallel_loop3A_34, %parallel_loop3A_32 : vector<16xf32>
      %parallel_loop3A_36 = math.exp %parallel_loop3A_35 : vector<16xf32>
      %parallel_loop3A_37 = arith.index_cast %parallel_loop3A_22 : i32 to index
      %parallel_loop3A_38 = tpu.vector_load %arg13[%parallel_loop3A_37] {strides = array<i32>} : memref<512xf32, #tpu.memory_space<vmem>>, vector<16xf32>,
      %parallel_loop3A_39 = vector.shape_cast %parallel_loop3A_38 : vector<16xf32> to vector<16xf32>
      %parallel_loop3A_40 = arith.constant 0.000000e+00 : f32
      %parallel_loop3A_41 = vector.broadcast %parallel_loop3A_40 : f32 to vector<16xf32>
      %parallel_loop3A_42 = arith.subf %parallel_loop3A_41, %parallel_loop3A_39 : vector<16xf32>
      %parallel_loop3A_43 = math.exp %parallel_loop3A_42 : vector<16xf32>
      %parallel_loop3A_44 = arith.index_cast %parallel_loop3A_22 : i32 to index
      %parallel_loop3A_45 = tpu.vector_load %arg14[%parallel_loop3A_44] {strides = array<i32>} : memref<512xf32, #tpu.memory_space<vmem>>, vector<16xf32>,
      %parallel_loop3A_46 = vector.shape_cast %parallel_loop3A_45 : vector<16xf32> to vector<16xf32>
      %parallel_loop3A_47 = arith.constant 0.000000e+00 : f32
      %parallel_loop3A_48 = vector.broadcast %parallel_loop3A_47 : f32 to vector<16xf32>
      %parallel_loop3A_49 = arith.subf %parallel_loop3A_48, %parallel_loop3A_46 : vector<16xf32>
      %parallel_loop3A_50 = math.exp %parallel_loop3A_49 : vector<16xf32>
      %parallel_loop3A_51 = arith.subf %parallel_loop3A_43, %parallel_loop3A_29 : vector<16xf32>
      %parallel_loop3A_52 = arith.mulf %broadcast_in_dim3A_19, %parallel_loop3A_51 : vector<16xf32>
      %parallel_loop3A_53 = arith.addf %broadcast_in_dim3A_17, %parallel_loop3A_36 : vector<16xf32>
      %parallel_loop3A_54 = arith.addf %broadcast_in_dim3A_17, %parallel_loop3A_29 : vector<16xf32>
      %parallel_loop3A_55 = arith.addf %broadcast_in_dim3A_17, %parallel_loop3A_43 : vector<16xf32>
      %parallel_loop3A_56 = arith.mulf %parallel_loop3A_54, %parallel_loop3A_55 : vector<16xf32>
      %parallel_loop3A_57 = arith.mulf %parallel_loop3A_53, %parallel_loop3A_56 : vector<16xf32>
      %parallel_loop3A_58 = arith.divf %parallel_loop3A_52, %parallel_loop3A_57 : vector<16xf32>
      %parallel_loop3A_59 = arith.constant 0.000000e+00 : f32
      %parallel_loop3A_60 = vector.broadcast %parallel_loop3A_59 : f32 to vector<16xf32>
      %parallel_loop3A_61 = arith.subf %parallel_loop3A_60, %parallel_loop3A_58 : vector<16xf32>
      %parallel_loop3A_62 = math.exp %parallel_loop3A_61 : vector<16xf32>
      %parallel_loop3A_63 = arith.addf %broadcast_in_dim3A_17, %parallel_loop3A_62 : vector<16xf32>
      %parallel_loop3A_64 = arith.addf %parallel_loop3A_63, %parallel_loop3A_50 : vector<16xf32>
      %parallel_loop3A_65 = arith.addf %broadcast_in_dim3A_17, %parallel_loop3A_50 : vector<16xf32>
      %parallel_loop3A_66 = arith.addf %broadcast_in_dim3A_17, %parallel_loop3A_62 : vector<16xf32>
      %parallel_loop3A_67 = arith.mulf %parallel_loop3A_65, %parallel_loop3A_66 : vector<16xf32>
      %parallel_loop3A_68 = arith.divf %parallel_loop3A_64, %parallel_loop3A_67 : vector<16xf32>
      %parallel_loop3A_69 = arith.index_cast %parallel_loop3A_22 : i32 to index
      %parallel_loop3A_70 = tpu.vector_load %arg15[%parallel_loop3A_69] {strides = array<i32>} : memref<512xf32, #tpu.memory_space<vmem>>, vector<16xf32>,
      %parallel_loop3A_71 = vector.shape_cast %parallel_loop3A_70 : vector<16xf32> to vector<16xf32>
      %parallel_loop3A_72 = vector.shape_cast %parallel_loop3A_68 : vector<16xf32> to vector<16xf32>
      tpu.vector_store %arg15[%parallel_loop3A_69], %parallel_loop3A_72 {strides = array<i32>} : memref<512xf32, #tpu.memory_space<vmem>>, vector<16xf32>,
    } {sc.loop_unroll_factor = 4 : i64, sc.parallel_access}
    "tpu.region"() ({
      %run_scoped3A = tpu.sem_alloc : memref<!tpu.dma_semaphore, #tpu.memory_space<semaphore_mem>>
      %dma_start3A_22 = tpu.memref_slice %arg8[%mul3A_2] : memref<16384xf32, #tpu.memory_space<hbm>> -> memref<512xf32, #tpu.memory_space<hbm>>
      %dma_start3A_23 = tpu.memref_slice %arg8[%mul3A_2] : memref<16384xf32, #tpu.memory_space<hbm>> -> memref<512xf32, #tpu.memory_space<hbm>>
      tpu.enqueue_dma source(%arg15 : memref<512xf32, #tpu.memory_space<vmem>>) target(%dma_start3A_23 : memref<512xf32, #tpu.memory_space<hbm>>) target_semaphore(%run_scoped3A : memref<!tpu.dma_semaphore, #tpu.memory_space<semaphore_mem>>)
      %dma_wait3A_24 = tpu.memref_slice %arg8[%mul3A_2] : memref<16384xf32, #tpu.memory_space<hbm>> -> memref<512xf32, #tpu.memory_space<hbm>>
      %dma_wait3A_25 = tpu.memref_slice %arg8[%mul3A_2] : memref<16384xf32, #tpu.memory_space<hbm>> -> memref<512xf32, #tpu.memory_space<hbm>>
      tpu.wait_dma2 semaphore(%run_scoped3A : memref<!tpu.dma_semaphore, #tpu.memory_space<semaphore_mem>>) src(%arg15 : memref<512xf32, #tpu.memory_space<vmem>>) dst(%dma_wait3A_25 : memref<512xf32, #tpu.memory_space<hbm>>)
      tpu.yield
    }) : () -> ()
    return
  }
}

</mosaic_0001>

<sc_bundles>
// kernel: kernel.3.cloned.1.call-start
scs
__scs_entry_jumppad:
0x0: {  	(pc) =	sbr.rel $0x88, $3  }
0x1: {  	(tag) =	ssettag $0x0;
	lr =	simm.s32 $0x1  }
0x2: {  	[smem:$0x3F9B] =	sst lr;
	_ =	strace $0xD0000000  }
0x3: {  	_ = 	snop  }
0x4: {  	_ = 	snop  }
0x5: {  	_ = 	snop  }
0x6: {  	_ = 	snop  }
0x7: {  	_ = 	snop  }
__scs_overlays_trampoline_lowered:
0x8: {  	[smem:$0x3FAA] =	sst s0  }
0x9: {  	[smem:$0x3FAB] =	sst s1  }
0xa: {  	[smem:$0x3FAC] =	sst s2  }
0xb: {  	[smem:$0x3FAD] =	sst s3  }
0xc: {  	[smem:$0x3FAE] =	sst s4  }
0xd: {  	[smem:$0x3FAF] =	sst s5  }
0xe: {  	[smem:$0x3FB0] =	sst s6  }
0xf: {  	[smem:$0x3FB1] =	sst s7  }
0x10: {  	[smem:$0x3FB2] =	sst s8  }
0x11: {  	[smem:$0x3FB3] =	sst s9;
	s0 =	simm.s32 @!p0 $0x0  }
0x12: {  	s1 =	sld [smem:$0x3F99];
	s0 =	simm.s32 @p0 $0x1  }
0x13: {  	[smem:$0x3FB4] =	sst s0;
	s0 =	simm.s32 @!p1 $0x0  }
0x14: {  	s2 =	sld [smem:$0x3F98];
	s0 =	simm.s32 @p1 $0x1  }
0x15: {  	[smem:$0x3FB5] =	sst s0;
	s0 =	simm.s32 @!p2 $0x0  }
0x16: {  	s3 =	sld [smem:$0x3FDB];
	s0 =	simm.s32 @p2 $0x1  }
0x17: {  	s4 =	simm.s32 $0x1BF5;
	[smem:$0x3FB7] =	sst s0  }
0x18: {  	s0 =	sld [smem:$0x3F9A];
	_ =	swait.ge [sflag:s4], $0x0  }
0x19: {  	s7 =	sld [smem:$0x3F9B]  }
0x1a: {  	s8 =	sadd.s32 $0xFFFFE003, lr  }
0x1b: {  	s9 =	sadd.s32 $0xFFFFFEF7, lr;
	s5 =	simm.s32 $0xFFFFFFFF;
	p2 =	slt.u32 s8, $0xFFFFF086  }
0x1c: {  	p1 =	slt.u32 s9, $0xF7A;
	s5 =	simm.s32 @!p2 $0x0  }
0x1d: {  	s5 =	simm.s32 @p1 $0x1;
	p0 =	seq.s32 s7, s2  }
0x1e: {  	s7 =	smul.u32 @!p0 $0xF7A, s2;
	p2 =	seq.s32 @!p0 s5, $0x0  }
0x1f: {  	s9 =	smul.u32 $0xF7A, s1;
	s8 =	simm.s32 @!p0 $0x1BF5;
	p2 =	por !p2, p0  }
0x20: {  	[sflag:s8] =	ssyncset.s32 @!p0 $0xFFFFF086;
	s6 =	sadd.s32 @!p0 s3, s7;
	s7 =	simm.s32 @!p0 $0x108  }
0x21: {  	s3 =	sadd.s32 s3, s9;
	s6 =	sadd.s32 @!p0 $0x88, s6;
	s7 =	simm.s32 @p2 $0x1082  }
0x22: {  	[simem:s7], [sflag:s8] =	dma.local @!p0 [hbm:s6], $0xF7A  }
0x23: {  	s9 =	sor.u32 $0xD0000000, s2;
	s6 =	simm.s32 $0x108;
	_ =	swait.ge @!p0 [sflag:s8], $0x0  }
0x24: {  	s3 =	sadd.s32 $0x88, s3;
	s6 =	simm.s32 @!p1 $0x1082;
	[sflag:s4] =	ssyncset.s32 $0xFFFFF086  }
0x25: {  	[simem:s6], [sflag:s4] =	dma.local [hbm:s3], $0xF7A  }
0x26: {  	[smem:$0x3F9B] =	sst s1;
	(tag) =	ssettag s2;
	_ =	strace s9  }
0x27: {  	s1 =	sld [smem:$0x3FAB]  }
0x28: {  	s2 =	sld [smem:$0x3FAC]  }
0x29: {  	s4 =	sld [smem:$0x3FAE]  }
0x2a: {  	p0 =	seq.s32 s5, $0x0;
	s5 =	sld [smem:$0x3FAF]  }
0x2b: {  	s6 =	sld [smem:$0x3FB0]  }
0x2c: {  	s7 =	sld [smem:$0x3FB1]  }
0x2d: {  	s3 =	simm.s32 $0x108;
	s8 =	sld [smem:$0x3FB2]  }
0x2e: {  	s3 =	simm.s32 @!p0 $0x1082;
	s9 =	sld [smem:$0x3FB3]  }
0x2f: {  	lr =	sadd.s32 s0, s3;
	s0 =	sld [smem:$0x3FAA]  }
0x30: {  	s3 =	sld [smem:$0x3FAD]  }
0x31: {  	[smem:$0x3FB6] =	sst s10  }
0x32: {  	s10 =	sld [smem:$0x3FB4];
	_ =	sdelay $0x3  }
0x33: {  	p0 =	seq.s32 s10, $0x1;
	s10 =	sld [smem:$0x3FB6];
	_ =	sdelay $0x3  }
0x34: {  	[smem:$0x3FB6] =	sst s10  }
0x35: {  	s10 =	sld [smem:$0x3FB5];
	_ =	sdelay $0x3  }
0x36: {  	p1 =	seq.s32 s10, $0x1;
	s10 =	sld [smem:$0x3FB6];
	_ =	sdelay $0x3  }
0x37: {  	[smem:$0x3FB6] =	sst s10  }
0x38: {  	s10 =	sld [smem:$0x3FB7]  }
0x39: {  	_ = 	snop;
	(pc) =	sbr.ind lr, $3  }
0x3a: {  	_ = 	snop  }
0x3b: {  	_ = 	snop  }
0x3c: {  	p2 =	seq.s32 s10, $0x1;
	s10 =	sld [smem:$0x3FB6]  }
0x3d: {  	_ =	shalt  }
0x3e: {  	_ =	shalt  }
0x3f: {  	_ =	shalt  }
0x40: {  	_ =	shalt  }
0x41: {  	_ =	shalt  }
0x42: {  	_ =	shalt  }
0x43: {  	_ =	shalt  }
0x44: {  	_ =	shalt  }
0x45: {  	_ =	shalt  }
0x46: {  	_ =	shalt  }
0x47: {  	_ =	shalt  }
0x48: {  	_ =	shalt  }
0x49: {  	_ =	shalt  }
0x4a: {  	_ =	shalt  }
0x4b: {  	_ =	shalt  }
0x4c: {  	_ =	shalt  }
0x4d: {  	_ =	shalt  }
0x4e: {  	_ =	shalt  }
0x4f: {  	_ =	shalt  }
0x50: {  	_ =	shalt  }
0x51: {  	_ =	shalt  }
0x52: {  	_ =	shalt  }
0x53: {  	_ =	shalt  }
0x54: {  	_ =	shalt  }
0x55: {  	_ =	shalt  }
0x56: {  	_ =	shalt  }
0x57: {  	_ =	shalt  }
0x58: {  	_ =	shalt  }
0x59: {  	_ =	shalt  }
0x5a: {  	_ =	shalt  }
0x5b: {  	_ =	shalt  }
0x5c: {  	_ =	shalt  }
0x5d: {  	_ =	shalt  }
0x5e: {  	_ =	shalt  }
0x5f: {  	_ =	shalt  }
0x60: {  	_ =	shalt  }
0x61: {  	_ =	shalt  }
0x62: {  	_ =	shalt  }
0x63: {  	_ =	shalt  }
0x64: {  	_ =	shalt  }
0x65: {  	_ =	shalt  }
0x66: {  	_ =	shalt  }
0x67: {  	_ =	shalt  }
0x68: {  	_ =	shalt  }
0x69: {  	_ =	shalt  }
0x6a: {  	_ =	shalt  }
0x6b: {  	_ =	shalt  }
0x6c: {  	_ =	shalt  }
0x6d: {  	_ =	shalt  }
0x6e: {  	_ =	shalt  }
0x6f: {  	_ =	shalt  }
0x70: {  	_ =	shalt  }
0x71: {  	_ =	shalt  }
0x72: {  	_ =	shalt  }
0x73: {  	_ =	shalt  }
0x74: {  	_ =	shalt  }
0x75: {  	_ =	shalt  }
0x76: {  	_ =	shalt  }
0x77: {  	_ =	shalt  }
0x78: {  	_ =	shalt  }
0x79: {  	_ =	shalt  }
0x7a: {  	_ =	shalt  }
0x7b: {  	_ =	shalt  }
0x7c: {  	_ =	shalt  }
0x7d: {  	_ =	shalt  }
0x7e: {  	_ =	shalt  }
0x7f: {  	_ =	shalt  }
0x80: {  	_ =	shalt  }
0x81: {  	_ =	shalt  }
0x82: {  	_ =	shalt  }
0x83: {  	_ =	shalt  }
0x84: {  	_ =	shalt  }
0x85: {  	_ =	shalt  }
0x86: {  	_ =	shalt  }
0x87: {  	_ =	shalt  }
.Lfunc_end0:
.L_simem_size_0:
called_computation_lowered:
.L_overlay_start_0:
0x88: {  	s2 =	sld [smem:$0x3FD9]  }
0x89: {  	s3 =	sld [smem:$0x3FFE];
	_ =	sdelay $0x1  }
0x8a: {  	s1 =	srdreg.scid  }
0x8b: {  	s0 =	sand.u32 $0x1, s1  }
0x8c: {  	s17 =	sshll.u32 s0, $0xA;
	s2 =	sadd.s32 s3, s2  }
0x8d: {  	s2 =	sadd.s32 s2, s17  }
0x8e: {  	[smem:$0x3FC2] =	sst s2  }
0x8f: {  	_ = 	snop  }
0x90: {  	s2 =	sld [smem:$0x3FC9]  }
0x91: {  	s18 =	sld [smem:$0x3FC8]  }
0x92: {  	s4 =	sld [smem:$0x3FD0];
	(tm) =	ssettm $0x1  }
0x93: {  	s5 =	sld [smem:$0x3FFB];
	_ =	sdelay $0x3  }
0x94: {  	_ =	strace s5  }
0x95: {  	s5 =	sld [smem:$0x3FFC];
	_ =	sdelay $0x3  }
0x96: {  	_ =	strace s5  }
0x97: {  	s5 =	sld [smem:$0x3FFD];
	_ =	sdelay $0x3  }
0x98: {  	_ =	strace s5  }
0x99: {  	_ =	strace $0x8FFFFFFF  }
0x9a: {  	s19 =	sld [smem:$0x3FDB];
	_ =	sdelay $0x1  }
0x9b: {  	s6 =	simm.s32 $_scs_section_size  }
0x9c: {  	s7 =	simm.s32 $_size__tile_overlayer_lowered;
	s8 =	simm.s32 $_tile_overlayer_lowered  }
0x9d: {  	s22 =	simm.s32 $0x1BFF;
	s21 =	sshll.u32 s8, $0x1;
	s5 =	sadd.s32 s6, s19  }
0x9e: {  	s9 =	simm.s32 $0x0;
	s20 =	sshll.u32 s7, $0x1;
	s7 =	sadd.s32 s21, s5  }
0x9f: {  	[timem:s9], [sflag:s22] =	dma.local [hbm:s7], s20  }
0xa0: {  	_ =	swait.ge [sflag:s22], s20  }
0xa1: {  	s6 =	ssub.s32 $0x0, s20;
	[sflag:s22] =	ssyncset.done $0x0  }
0xa2: {  	[sflag:s22] =	ssyncadd.s32 s6;
	_ =	sdelay $0x1  }
0xa3: {  	s23 =	simm.s32 $0x1B8B  }
0xa4: {  	_ =	swait.ge [sflag:s23], $0x1  }
0xa5: {  	[sflag:s23] =	ssyncset.done $0x0  }
0xa6: {  	s25 =	simm.s32 $0x1B8E;
	s24 =	sld [smem:$0x3FFE];
	[sflag:s23] =	ssyncadd.s32 $0xFFFFFFFF  }
0xa7: {  	s26 =	simm.s32 $execute0_lowered;
	[smem:$0x3FD2] =	sst s25  }
0xa8: {  	s7 =	sshll.u32 s26, $0x1;
	_ =	strace $0x80000046;
	[dreg:$0x1] =	wrdreg $0xFFFFFFFF  }
0xa9: {  	s28 =	simm.s32 $_size_execute0_lowered;
	s5 =	sadd.s32 s5, s7;
	[dreg:$0x0] =	wrdreg $0x0  }
0xaa: {  	s7 =	sshll.u32 s28, $0x1;
	[dreg:$0x2] =	wrdreg s5  }
0xab: {  	[dreg:$0x3] =	wrdreg s7  }
0xac: {  	[dreg:$0x4] =	wrdreg $0xC0  }
0xad: {  	_ =	task [dreg:s9], $0x5FFFF  }
0xae: {  	[dreg:$0x1] =	wrdreg $0xFFFFFFFF  }
0xaf: {  	[dreg:$0x0] =	wrdreg $0x60  }
0xb0: {  	[dreg:$0x2] =	wrdreg s2  }
0xb1: {  	[dreg:$0x3] =	wrdreg s18  }
0xb2: {  	[dreg:$0x4] =	wrdreg s24  }
0xb3: {  	[dreg:$0x5] =	wrdreg s4  }
0xb4: {  	[dreg:$0x6] =	wrdreg $0x9  }
0xb5: {  	_ =	task.clear_ibuf [dreg:s9], $0x7FFFF;
	_ =	strace $0x90000046  }
0xb6: {  	s29 =	simm.s32 $0x9;
	_ =	strace $0x80000048  }
0xb7: {  	_ =	swait.ge [sflag:s29], $0x1  }
0xb8: {  	[sflag:s29] =	ssyncadd.s32 $0xFFFFFFFF  }
0xb9: {  	_ =	strace $0x90000048  }
0xba: {  	_ =	sfence  }
0xbb: {  	s30 =	sld [smem:$0x0];
	_ =	sdelay $0x2  }
0xbc: {  	s31 =	sshll.u32 s1, $0xD;
	s1 =	sshrl.u32 s1, $0x2  }
0xbd: {  	s3 =	sand.u32 $0x4000, s31;
	s1 =	sadd.s32 s1, s30  }
0xbe: {  	s0 =	sor.u32 s3, s0;
	s1 =	sshll.u32 s1, $0x11  }
0xbf: {  	s0 =	sor.u32 s1, s0  }
0xc0: {  	s0 =	sadd.s32 $0x8F2B, s0  }
0xc1: {  	[sflag:s0] =	ssyncadd.remote.s32 $0x1  }
0xc2: {  	_ =	sfence.sel $0xFFFF  }
0xc3: {  	[dreg:$0x0] =	wrdreg $0xFFFFFFFF;
	(pc) =	sbr.abs _section_cstart, $3  }
0xc4: {  	[dreg:$0x1] =	wrdreg $0xFFFFFFFF  }
0xc5: {  	_ =	task.clear_ibuf [dreg:s9], $0x2FFFF;
	_ =	strace $0x9FFFFFFF  }
0xc6: {  	(tm) =	ssettm $0x7FFFFFFF  }
0xc7: {  	_ =	shalt  }
tec
execute0_lowered:
.L_overlay_start_1:
0x0: {  	(tag) =	ssettag $0x1  }
0x1: {  	s7 =	rddreg [dreg:$0x0]  }
0x2: {  	s8 =	rddreg [dreg:$0x1]  }
0x3: {  	s1 =	rddreg [dreg:$0x2]  }
0x4: {  	s9 =	rddreg [dreg:$0x3]  }
0x5: {  	s0 =	rddreg [dreg:$0x4];
	s2 =	simm.s32 $0x0  }
0x6: {  	s5 =	srdreg.scid;
	s3 =	stileid.u32;
	s13 =	simm.s32 $0x400  }
0x7: {  	s14 =	simm.s32 $0x600;
	s15 =	simm.s32 $0x800;
	s16 =	simm.s32 $0xA00  }
0x8: {  	s17 =	simm.s32 $0x1;
	s18 =	simm.s32 $0xC00;
	s19 =	simm.s32 $0x0  }
0x9: {  	[smem:$0x7FF] =	sst s2;
	s4 =	sadd.s32 $0x3200, s1;
	s5 =	sand.u32 $0x1, s5  }
0xa: {  	s6 =	sshll.u32 s3, $0x7;
	_ =	strace $0x80000047;
	s10 =	ssub.s32 $0x2, s5  }
0xb: {  	s11 =	sshll.u32 s5, $0x6;
	s5 =	sadd.s32 $0x6400, s1;
	s12 =	sshrl.u32 s10, $0x1  }
0xc: {  	s11 =	sor.u32 s11, s6;
	s6 =	sadd.s32 $0x9600, s1;
	s10 =	ssub.s32 s10, s12  }
0xd: {  	s7 =	sadd.s32 s7, s11;
	s8 =	sadd.s32 s8, s11;
	s9 =	sadd.s32 s9, s11  }
0xe: {  	s11 =	simm.s32 $0x2;
	s12 =	simm.s32 $0x200;
	s10 =	smax.u32 s10, $0x1  }
.LBB2_1:
0xf: {  	[tilespmem:s2], [sflag:$0x2] =	stream.linear.gather [hbm4b:s7+s2], $0x200, $0x38;
	[tilespmem:$0xE00] =	vst v63  }
0x10: {  	_ =	swait.ge [sflag:s11], $0x200  }
0x11: {  	[sflag:s11] =	ssyncset.done $0x0  }
0x12: {  	[sflag:s11] =	ssyncadd.s32 $0xFFFFFE00  }
0x13: {  	[tilespmem:s12], [sflag:$0x2] =	stream.linear.gather [hbm4b:s8+s2], $0x200, $0x38;
	[tilespmem:$0xE00] =	vst v63  }
0x14: {  	_ =	swait.ge [sflag:s11], $0x200  }
0x15: {  	[sflag:s11] =	ssyncset.done $0x0  }
0x16: {  	[sflag:s11] =	ssyncadd.s32 $0xFFFFFE00  }
0x17: {  	[tilespmem:s13], [sflag:$0x1] =	stream.indirect.gather [hbm4b:s1+s12], $0x1, s2, s12, $0xb8;
	[tilespmem:$0xE00] =	vst v63  }
0x18: {  	_ = 	snop  }
0x19: {  	[tilespmem:s14], [sflag:$0x1] =	stream.indirect.gather [hbm4b:s4+s12], $0x1, s12, s12, $0xb8;
	[tilespmem:$0xE00] =	vst v63  }
0x1a: {  	_ = 	snop  }
0x1b: {  	[tilespmem:s15], [sflag:$0x1] =	stream.indirect.gather [hbm4b:s5+s12], $0x1, s12, s12, $0xb8;
	[tilespmem:$0xE00] =	vst v63  }
0x1c: {  	_ = 	snop  }
0x1d: {  	[tilespmem:s16], [sflag:$0x1] =	stream.indirect.gather [hbm4b:s6+s12], $0x1, s12, s12, $0xb8;
	[tilespmem:$0xE00] =	vst v63  }
0x1e: {  	_ =	swait.ge [sflag:s17], $0x200  }
0x1f: {  	[sflag:s17] =	ssyncset.done $0x0  }
0x20: {  	[sflag:s17] =	ssyncadd.s32 $0xFFFFFE00  }
0x21: {  	_ =	swait.ge [sflag:s17], $0x200  }
0x22: {  	[sflag:s17] =	ssyncset.done $0x0  }
0x23: {  	[sflag:s17] =	ssyncadd.s32 $0xFFFFFE00  }
0x24: {  	_ =	swait.ge [sflag:s17], $0x200  }
0x25: {  	[sflag:s17] =	ssyncset.done $0x0  }
0x26: {  	[sflag:s17] =	ssyncadd.s32 $0xFFFFFE00  }
0x27: {  	_ =	swait.ge [sflag:s17], $0x200  }
0x28: {  	[sflag:s17] =	ssyncset.done $0x0  }
0x29: {  	s20 =	simm.s32 $0x420;
	[sflag:s17] =	ssyncadd.s32 $0xFFFFFE00  }
0x2a: {  	s21 =	simm.s32 $0x820;
	v0 =	vld [tilespmem:s20+$0x10]  }
0x2b: {  	v1 =	vld [tilespmem:s21+$0x10]  }
0x2c: {  	s22 =	simm.s32 $0x620  }
0x2d: {  	v2 =	vld [tilespmem:s22+$0x10];
	_ =	sdelay $0x1  }
0x2e: {  	v0 =	vsub.f32 $0.0e+00, v0  }
0x2f: {  	v3 =	vld [tilespmem:s21+$0xFFFFFFE0];
	v1 =	vsub.f32 $0.0e+00, v1  }
0x30: {  	v4 =	vld [tilespmem:s20+$0xFFFFFFF0];
	v0 =	vmul.f32 $1.442695020e+00, v0  }
0x31: {  	v5 =	vld [tilespmem:s21+$0xFFFFFFF0];
	v2 =	vsub.f32 $0.0e+00, v2;
	v1 =	vmul.f32 $1.442695020e+00, v1  }
0x32: {  	v6 =	vld [tilespmem:s20+$0xFFFFFFE0];
	(erf) = vpow2.f32 v0  }
0x33: {  	v2 =	vmul.f32 $1.442695020e+00, v2;
	v0 =	vld [tilespmem:s20+$0x0];
	(erf) = vpow2.f32 v1  }
0x34: {  	v7 =	vld [tilespmem:s22+$0xFFFFFFE0]  }
0x35: {  	v1 =	vld [tilespmem:s21+$0x0];
	(erf) = vpow2.f32 v2;
	v2 =	vsub.f32 $0.0e+00, v3  }
0x36: {  	v3 =	vsub.f32 $0.0e+00, v4  }
0x37: {  	v5 =	vsub.f32 $0.0e+00, v5;
	v6 =	vsub.f32 $0.0e+00, v6;
	v2 =	vmul.f32 $1.442695020e+00, v2  }
0x38: {  	v3 =	vmul.f32 $1.442695020e+00, v3;
	v0 =	vsub.f32 $0.0e+00, v0  }
0x39: {  	v7 =	vsub.f32 $0.0e+00, v7;
	v5 =	vmul.f32 $1.442695020e+00, v5;
	v6 =	vmul.f32 $1.442695020e+00, v6;
	v4 =	vld [tilespmem:s22+$0xFFFFFFF0]  }
0x3a: {  	v1 =	vsub.f32 $0.0e+00, v1;
	(erf) = vpow2.f32 v2;
	v0 =	vmul.f32 $1.442695020e+00, v0  }
0x3b: {  	v8 =	vld [tilespmem:s22+$0x0];
	(erf) = vpow2.f32 v6;
	v6 =	vmul.f32 $1.442695020e+00, v7;
	v2 =	vpop (erf)  }
0x3c: {  	v1 =	vmul.f32 $1.442695020e+00, v1;
	(erf) = vpow2.f32 v3;
	v3 =	vpop (erf)  }
0x3d: {  	(erf) = vpow2.f32 v5;
	v5 =	vadd.f32 $1.000000000e+00, v2;
	v7 =	vadd.f32 $1.000000000e+00, v3  }
0x3e: {  	v4 =	vsub.f32 $0.0e+00, v4;
	(erf) = vpow2.f32 v0;
	v0 =	vpop (erf)  }
0x3f: {  	(erf) = vpow2.f32 v1;
	v0 =	vadd.f32 $1.000000000e+00, v0;
	v1 =	vmul.f32 v7, v5  }
0x40: {  	v8 =	vsub.f32 $0.0e+00, v8  }
0x41: {  	v4 =	vmul.f32 $1.442695020e+00, v4;
	v0 =	vmul.f32 v1, v0  }
0x42: {  	v5 =	vmul.f32 $1.442695020e+00, v8;
	(erf) = vpow2.f32 v6  }
0x43: {  	(erf) = vpow2.f32 v4  }
0x44: {  	(erf) = vpow2.f32 v5;
	v1 =	vpop (erf)  }
0x45: {  	(erf) = vrcp.f32 v0;
	v0 =	vpop (erf)  }
0x46: {  	v4 =	vpop (erf)  }
0x47: {  	v5 =	vpop (erf)  }
0x48: {  	v7 =	vpop (erf)  }
0x49: {  	v2 =	vsub.f32 v3, v2;
	v6 =	vadd.f32 $1.000000000e+00, v1;
	v10 =	vpop (erf)  }
0x4a: {  	s25 =	simm.s32 $0xA20;
	v8 =	vadd.f32 $1.000000000e+00, v0;
	v14 =	vadd.f32 $1.000000000e+00, v10  }
0x4b: {  	v13 =	vld [tilespmem:s25+$0x10];
	v2 =	vmul.f32 $2.723200040e+01, v2;
	v9 =	vadd.f32 $1.000000000e+00, v4;
	v11 =	vadd.f32 $1.000000000e+00, v5;
	v12 =	vpop (erf)  }
0x4c: {  	v6 =	vmul.f32 v6, v8;
	v3 =	vadd.f32 $1.000000000e+00, v7;
	v15 =	vpop (erf);
	v8 =	vadd.f32 $1.000000000e+00, v12  }
0x4d: {  	s28 =	simm.s32 $0x860;
	v0 =	vsub.f32 v1, v0;
	v9 =	vmul.f32 v11, v9;
	v12 =	vpop (erf);
	v11 =	vadd.f32 $1.000000000e+00, v15  }
0x4e: {  	v1 =	vld [tilespmem:s28+$0x10];
	v3 =	vmul.f32 v14, v3;
	v6 =	vmul.f32 v6, v8;
	v8 =	vadd.f32 $1.000000000e+00, v12;
	v14 =	vpop (erf)  }
0x4f: {  	v12 =	vld [tilespmem:s25+$0xFFFFFFE0];
	v9 =	vmul.f32 v9, v11;
	v2 =	vmul.f32 v14, v2  }
0x50: {  	v11 =	vsub.f32 $0.0e+00, v13;
	v3 =	vmul.f32 v3, v8;
	(erf) = vrcp.f32 v6;
	v6 =	vld [tilespmem:s25+$0xFFFFFFF0]  }
0x51: {  	s26 =	simm.s32 $0x460;
	(erf) = vrcp.f32 v9;
	v9 =	vld [tilespmem:s25+$0x0];
	v2 =	vsub.f32 $0.0e+00, v2  }
0x52: {  	v8 =	vmul.f32 $1.442695020e+00, v11;
	(erf) = vrcp.f32 v3;
	v3 =	vld [tilespmem:s26+$0x10]  }
0x53: {  	v2 =	vmul.f32 $1.442695020e+00, v2  }
0x54: {  	(erf) = vpow2.f32 v8  }
0x55: {  	v1 =	vsub.f32 $0.0e+00, v1;
	(erf) = vpow2.f32 v2;
	v2 =	vsub.f32 v5, v4  }
0x56: {  	v4 =	vsub.f32 $0.0e+00, v12;
	v8 =	vsub.f32 $0.0e+00, v9  }
0x57: {  	s29 =	simm.s32 $0x660;
	v6 =	vsub.f32 $0.0e+00, v6;
	v3 =	vsub.f32 $0.0e+00, v3  }
0x58: {  	v5 =	vsub.f32 v10, v7;
	v7 =	vld [tilespmem:s29+$0x10];
	v4 =	vmul.f32 $1.442695020e+00, v4;
	v8 =	vmul.f32 $1.442695020e+00, v8  }
0x59: {  	v9 =	vld [tilespmem:s28+$0xFFFFFFE0];
	v6 =	vmul.f32 $1.442695020e+00, v6;
	v3 =	vmul.f32 $1.442695020e+00, v3  }
0x5a: {  	v1 =	vmul.f32 $1.442695020e+00, v1;
	v10 =	vpop (erf);
	(erf) = vpow2.f32 v4  }
0x5b: {  	v4 =	vld [tilespmem:s26+$0xFFFFFFF0];
	v11 =	vpop (erf);
	(erf) = vpow2.f32 v6  }
0x5c: {  	v0 =	vmul.f32 $2.723200040e+01, v0;
	v12 =	vld [tilespmem:s26+$0xFFFFFFE0];
	(erf) = vpow2.f32 v8;
	v8 =	vpop (erf)  }
0x5d: {  	v2 =	vmul.f32 $2.723200040e+01, v2;
	v6 =	vld [tilespmem:s28+$0xFFFFFFF0];
	v7 =	vsub.f32 $0.0e+00, v7;
	(erf) = vpow2.f32 v3;
	v3 =	vpop (erf)  }
0x5e: {  	v13 =	vld [tilespmem:s26+$0x0];
	v10 =	vmul.f32 v10, v0;
	v0 =	vsub.f32 $0.0e+00, v9;
	(erf) = vpow2.f32 v1;
	v1 =	vpop (erf)  }
0x5f: {  	v9 =	vld [tilespmem:s28+$0x0];
	v7 =	vmul.f32 $1.442695020e+00, v7;
	v14 =	vadd.f32 $1.000000000e+00, v1;
	v1 =	vadd.f32 $1.000000000e+00, v3  }
0x60: {  	v2 =	vmul.f32 v11, v2;
	v11 =	vld [tilespmem:s29+$0xFFFFFFE0];
	v4 =	vsub.f32 $0.0e+00, v4  }
0x61: {  	v15 =	vld [tilespmem:s29+$0xFFFFFFF0];
	(erf) = vpow2.f32 v7;
	v7 =	vsub.f32 $0.0e+00, v12;
	v1 =	vmul.f32 v14, v1  }
0x62: {  	v0 =	vmul.f32 $1.442695020e+00, v0;
	v6 =	vsub.f32 $0.0e+00, v6;
	v4 =	vmul.f32 $1.442695020e+00, v4  }
0x63: {  	v13 =	vsub.f32 $0.0e+00, v13;
	v12 =	vld [tilespmem:s29+$0x0];
	v7 =	vmul.f32 $1.442695020e+00, v7;
	v16 =	vpop (erf);
	(erf) = vrcp.f32 v1  }
0x64: {  	v9 =	vsub.f32 $0.0e+00, v9;
	v6 =	vmul.f32 $1.442695020e+00, v6;
	(erf) = vpow2.f32 v0  }
0x65: {  	v13 =	vmul.f32 $1.442695020e+00, v13;
	v11 =	vsub.f32 $0.0e+00, v11;
	v1 =	vpop (erf);
	(erf) = vpow2.f32 v7  }
0x66: {  	v15 =	vsub.f32 $0.0e+00, v15;
	v9 =	vmul.f32 $1.442695020e+00, v9;
	v0 =	vpop (erf);
	(erf) = vpow2.f32 v4  }
0x67: {  	v10 =	vsub.f32 $0.0e+00, v10;
	v7 =	vmul.f32 $1.442695020e+00, v11;
	v4 =	vpop (erf);
	(erf) = vpow2.f32 v6  }
0x68: {  	v11 =	vsub.f32 $0.0e+00, v12;
	v12 =	vmul.f32 $1.442695020e+00, v15;
	v6 =	vpop (erf);
	(erf) = vpow2.f32 v13  }
0x69: {  	v15 =	vadd.f32 $1.000000000e+00, v4;
	v17 =	vadd.f32 $1.000000000e+00, v6;
	(erf) = vpow2.f32 v9  }
0x6a: {  	v11 =	vmul.f32 $1.442695020e+00, v11;
	v9 =	vpop (erf);
	(erf) = vpow2.f32 v7  }
0x6b: {  	v9 =	vadd.f32 $1.000000000e+00, v9;
	v7 =	vmul.f32 $1.442695020e+00, v10;
	v13 =	vmul.f32 v17, v15  }
0x6c: {  	v5 =	vmul.f32 $2.723200040e+01, v5;
	(erf) = vpow2.f32 v12  }
0x6d: {  	(erf) = vpow2.f32 v11;
	v10 =	vpop (erf);
	v9 =	vmul.f32 v13, v9  }
0x6e: {  	v5 =	vmul.f32 v8, v5;
	v8 =	vpop (erf);
	(erf) = vpow2.f32 v7  }
0x6f: {  	v7 =	vpop (erf);
	(erf) = vrcp.f32 v9  }
0x70: {  	v2 =	vsub.f32 $0.0e+00, v2;
	v11 =	vpop (erf)  }
0x71: {  	v5 =	vsub.f32 $0.0e+00, v5;
	v13 =	vpop (erf)  }
0x72: {  	v2 =	vmul.f32 $1.442695020e+00, v2;
	v4 =	vsub.f32 v6, v4;
	v15 =	vadd.f32 $1.000000000e+00, v8;
	v17 =	vpop (erf)  }
0x73: {  	v5 =	vmul.f32 $1.442695020e+00, v5;
	v8 =	vsub.f32 v8, v7;
	v7 =	vadd.f32 $1.000000000e+00, v7;
	v18 =	vpop (erf)  }
0x74: {  	s30 =	simm.s32 $0xA60;
	(erf) = vpow2.f32 v2;
	v2 =	vadd.f32 $1.000000000e+00, v11;
	v19 =	vpop (erf);
	v20 =	vadd.f32 $1.000000000e+00, v18  }
0x75: {  	v11 =	vsub.f32 v13, v11;
	(erf) = vpow2.f32 v5;
	v5 =	vadd.f32 $1.000000000e+00, v13;
	v13 =	vld [tilespmem:s30+$0x10];
	v6 =	vpop (erf)  }
0x76: {  	v7 =	vmul.f32 v15, v7;
	v15 =	vadd.f32 $1.000000000e+00, v17;
	v21 =	vpop (erf)  }
0x77: {  	v4 =	vmul.f32 $2.723200040e+01, v4;
	v22 =	vmul.f32 $2.723200040e+01, v8;
	v8 =	vadd.f32 $1.000000000e+00, v19;
	v19 =	vpop (erf)  }
0x78: {  	v2 =	vmul.f32 v5, v2;
	v5 =	vld [tilespmem:s30+$0xFFFFFFE0];
	v6 =	vadd.f32 $1.000000000e+00, v6;
	v15 =	vmul.f32 v20, v15;
	v20 =	vpop (erf)  }
0x79: {  	v7 =	vmul.f32 v7, v8;
	v8 =	vld [tilespmem:s30+$0xFFFFFFF0];
	v21 =	vadd.f32 $1.000000000e+00, v21;
	v4 =	vmul.f32 v20, v4  }
0x7a: {  	v13 =	vsub.f32 $0.0e+00, v13;
	v2 =	vmul.f32 v2, v6;
	v6 =	vld [tilespmem:s30+$0x0]  }
0x7b: {  	v15 =	vmul.f32 v15, v21;
	(erf) = vrcp.f32 v7;
	v4 =	vsub.f32 $0.0e+00, v4  }
0x7c: {  	v3 =	vadd.f32 v14, v3;
	(erf) = vrcp.f32 v2;
	v2 =	vmul.f32 $1.442695020e+00, v13  }
0x7d: {  	s21 =	simm.s32 $0x6A0;
	v5 =	vsub.f32 $0.0e+00, v5;
	(erf) = vrcp.f32 v15;
	v4 =	vmul.f32 $1.442695020e+00, v4  }
0x7e: {  	s31 =	simm.s32 $0x4A0;
	v13 =	vsub.f32 $0.0e+00, v8;
	v8 =	vmul.f32 v10, v3;
	v3 =	vadd.f32 $1.000000000e+00, v19;
	v19 =	vld [tilespmem:s21+$0xFFFFFFE0]  }
0x7f: {  	(erf) = vpow2.f32 v2;
	v2 =	vmul.f32 $1.442695020e+00, v5;
	v5 =	vsub.f32 $0.0e+00, v6;
	v6 =	vld [tilespmem:s31+$0x10]  }
0x80: {  	s20 =	simm.s32 $0x8A0;
	v12 =	vadd.f32 $1.000000000e+00, v1;
	v9 =	vadd.f32 $1.000000000e+00, v16;
	v11 =	vmul.f32 $2.723200040e+01, v11  }
0x81: {  	v7 =	vsub.f32 v18, v17;
	v10 =	vmul.f32 $1.442695020e+00, v13;
	v13 =	vld [tilespmem:s20+$0x10];
	(erf) = vpow2.f32 v4;
	v4 =	vpop (erf)  }
0x82: {  	v9 =	vmul.f32 v3, v9;
	(erf) = vpow2.f32 v2;
	v4 =	vadd.f32 $1.000000000e+00, v4  }
0x83: {  	v5 =	vmul.f32 $1.442695020e+00, v5;
	v2 =	vld [tilespmem:s21+$0x10];
	v19 =	vsub.f32 $0.0e+00, v19;
	(erf) = vpow2.f32 v10  }
0x84: {  	v10 =	vadd.f32 v3, v16;
	v3 =	vld [tilespmem:s20+$0xFFFFFFE0];
	v6 =	vsub.f32 $0.0e+00, v6;
	v15 =	vpop (erf);
	v12 =	vmul.f32 v4, v12  }
0x85: {  	v14 =	vadd.f32 $1.000000000e+00, v0;
	v7 =	vmul.f32 $2.723200040e+01, v7;
	(erf) = vpow2.f32 v5;
	v16 =	vpop (erf)  }
0x86: {  	v5 =	vld [tilespmem:s31+$0xFFFFFFF0];
	v13 =	vsub.f32 $0.0e+00, v13;
	v19 =	vmul.f32 $1.442695020e+00, v19;
	v6 =	vmul.f32 $1.442695020e+00, v6;
	v17 =	vpop (erf)  }
0x87: {  	(erf) = vrcp.f32 v9;
	v18 =	vadd.f32 v4, v1;
	v11 =	vmul.f32 v17, v11;
	v17 =	vld [tilespmem:s31+$0xFFFFFFE0]  }
0x88: {  	v1 =	vmul.f32 $1.442695020e+00, v13;
	v2 =	vsub.f32 $0.0e+00, v2;
	(erf) = vrcp.f32 v12;
	v12 =	vpop (erf)  }
0x89: {  	v9 =	vld [tilespmem:s20+$0xFFFFFFF0];
	v3 =	vsub.f32 $0.0e+00, v3;
	(erf) = vpow2.f32 v6;
	v7 =	vmul.f32 v12, v7;
	v12 =	vpop (erf)  }
0x8a: {  	v13 =	vld [tilespmem:s20+$0x0];
	v2 =	vmul.f32 $1.442695020e+00, v2;
	(erf) = vpow2.f32 v1;
	v6 =	vpop (erf);
	v1 =	vadd.f32 $1.000000000e+00, v12  }
0x8b: {  	v15 =	vadd.f32 $1.000000000e+00, v15;
	v4 =	vld [tilespmem:s31+$0x0];
	v20 =	vmul.f32 $1.442695020e+00, v3;
	v6 =	vadd.f32 $1.000000000e+00, v6  }
0x8c: {  	v55 =	vld [tilespmem:s21+$0x0];
	v3 =	vsub.f32 $0.0e+00, v5;
	(erf) = vpow2.f32 v2;
	v17 =	vsub.f32 $0.0e+00, v17  }
0x8d: {  	v16 =	vmul.f32 v16, v22;
	v5 =	vld [tilespmem:s21+$0xFFFFFFF0];
	v56 =	vmul.f32 v6, v1  }
0x8e: {  	v14 =	vmul.f32 v15, v14;
	v9 =	vsub.f32 $0.0e+00, v9;
	v17 =	vmul.f32 $1.442695020e+00, v17;
	v1 =	vpop (erf)  }
0x8f: {  	v13 =	vsub.f32 $0.0e+00, v13;
	v23 =	vmul.f32 $1.442695020e+00, v3;
	v2 =	vpop (erf);
	(erf) = vrcp.f32 v56  }
0x90: {  	v4 =	vsub.f32 $0.0e+00, v4;
	v9 =	vmul.f32 $1.442695020e+00, v9;
	v3 =	vpop (erf);
	(erf) = vpow2.f32 v20  }
0x91: {  	v21 =	vsub.f32 $0.0e+00, v55;
	v13 =	vmul.f32 $1.442695020e+00, v13;
	v20 =	vpop (erf);
	(erf) = vpow2.f32 v17  }
0x92: {  	v4 =	vmul.f32 $1.442695020e+00, v4;
	v5 =	vsub.f32 $0.0e+00, v5;
	v17 =	vpop (erf);
	(erf) = vpow2.f32 v23  }
0x93: {  	v0 =	vadd.f32 v15, v0;
	v11 =	vsub.f32 $0.0e+00, v11;
	v15 =	vpop (erf);
	(erf) = vpow2.f32 v9  }
0x94: {  	v5 =	vmul.f32 $1.442695020e+00, v5;
	v9 =	vsub.f32 $0.0e+00, v16;
	v57 =	vpop (erf);
	(erf) = vpow2.f32 v4  }
0x95: {  	v4 =	vadd.f32 $1.000000000e+00, v15;
	v58 =	vadd.f32 $1.000000000e+00, v57;
	(erf) = vpow2.f32 v13;
	v13 =	vpop (erf)  }
0x96: {  	v16 =	vmul.f32 $1.442695020e+00, v21;
	v9 =	vmul.f32 $1.442695020e+00, v9;
	v13 =	vadd.f32 $1.000000000e+00, v13  }
0x97: {  	(erf) = vpow2.f32 v19;
	v19 =	vmul.f32 v58, v4  }
0x98: {  	v11 =	vmul.f32 $1.442695020e+00, v11;
	(erf) = vpow2.f32 v5;
	v5 =	vsub.f32 $0.0e+00, v7  }
0x99: {  	v6 =	vadd.f32 v6, v12;
	(erf) = vpow2.f32 v16;
	v7 =	vpop (erf);
	v12 =	vmul.f32 v19, v13  }
0x9a: {  	v16 =	vmul.f32 $1.442695020e+00, v5;
	(erf) = vpow2.f32 v9;
	v13 =	vpop (erf)  }
0x9b: {  	v19 =	vmul.f32 v7, v6;
	v9 =	vpop (erf);
	(erf) = vrcp.f32 v12  }
0x9c: {  	v12 =	vmul.f32 v20, v10;
	v7 =	vpop (erf);
	v10 =	vadd.f32 $1.000000000e+00, v9;
	v9 =	vsub.f32 v13, v9  }
0x9d: {  	v6 =	vadd.f32 $1.000000000e+00, v13;
	(erf) = vpow2.f32 v11;
	v11 =	vpop (erf)  }
0x9e: {  	s24 =	simm.s32 $0xAA0;
	(erf) = vpow2.f32 v16;
	v16 =	vpop (erf)  }
0x9f: {  	v60 =	vld [tilespmem:s24+$0x10];
	v17 =	vmul.f32 v17, v18;
	v13 =	vadd.f32 $1.000000000e+00, v7;
	v6 =	vmul.f32 v6, v10;
	v18 =	vpop (erf)  }
0xa0: {  	v25 =	vld [tilespmem:s24+$0x0];
	v10 =	vadd.f32 $1.000000000e+00, v11;
	v11 =	vsub.f32 v11, v7;
	v7 =	vmul.f32 $2.723200040e+01, v9;
	v9 =	vpop (erf)  }
0xa1: {  	(erf) = vrcp.f32 v14;
	v20 =	vadd.f32 $1.000000000e+00, v16;
	v14 =	vpop (erf)  }
0xa2: {  	v59 =	vadd.f32 $1.000000000e+00, v9;
	v9 =	vmul.f32 $2.723200040e+01, v11;
	v11 =	vsub.f32 v57, v15;
	v15 =	vpop (erf)  }
0xa3: {  	v10 =	vmul.f32 v10, v13;
	v13 =	vadd.f32 $1.000000000e+00, v18;
	v15 =	vadd.f32 $1.000000000e+00, v15  }
0xa4: {  	s23 =	simm.s32 $0xC20;
	v61 =	vld [tilespmem:s24+$0xFFFFFFE0];
	v63 =	vsub.f32 $0.0e+00, v60  }
0xa5: {  	[tilespmem:s23+$0xFFFFFFF0] =	vst v17;
	v17 =	vsub.f32 $0.0e+00, v25;
	v16 =	vsub.f32 v18, v16;
	v13 =	vmul.f32 v13, v20  }
0xa6: {  	v4 =	vadd.f32 $1.000000000e+00, v1;
	v14 =	vadd.f32 $1.000000000e+00, v14;
	v20 =	vld [tilespmem:s24+$0xFFFFFFF0];
	v62 =	vmul.f32 $2.723200040e+01, v11;
	v24 =	vpop (erf)  }
0xa7: {  	v5 =	vadd.f32 $1.000000000e+00, v2;
	v18 =	vmul.f32 v6, v59;
	v13 =	vmul.f32 v13, v15;
	v15 =	vpop (erf)  }
0xa8: {  	v6 =	vadd.f32 $1.000000000e+00, v3;
	v14 =	vmul.f32 v10, v14;
	v15 =	vmul.f32 v15, v62  }
0xa9: {  	s22 =	simm.s32 $0xC60;
	[tilespmem:s23+$0x10] =	vst v8;
	v11 =	vmul.f32 $2.723200040e+01, v16;
	(erf) = vrcp.f32 v18;
	v18 =	vsub.f32 $0.0e+00, v61;
	v16 =	vpop (erf)  }
0xaa: {  	[tilespmem:s22+$0x10] =	vst v19;
	(erf) = vrcp.f32 v14;
	v8 =	vadd.f32 $1.000000000e+00, v16;
	v19 =	vsub.f32 $0.0e+00, v15  }
0xab: {  	[tilespmem:s23+$0xFFFFFFE0] =	vst v12;
	v12 =	vpop (erf);
	v16 =	vmul.f32 $1.442695020e+00, v63;
	(erf) = vrcp.f32 v13;
	v15 =	vsub.f32 $0.0e+00, v20  }
0xac: {  	s25 =	simm.s32 $0x80;
	s26 =	simm.s32 $0x4E0;
	v10 =	vadd.f32 $1.000000000e+00, v24;
	v14 =	vmul.f32 $1.442695020e+00, v18;
	v13 =	vpop (erf);
	v18 =	vmul.f32 $1.442695020e+00, v19  }
.LBB2_2:
0xad: {  	v19 =	vld [tilespmem:s26+$0x10];
	v15 =	vmul.f32 $1.442695020e+00, v15;
	s20 =	sadd.s32 $0x40, s20;
	(erf) = vpow2.f32 v16;
	v16 =	vadd.f32 $1.000000000e+00, v12  }
0xae: {  	s25 =	sadd.s32 $0x40, s25;
	v12 =	vadd.f32 v10, v1;
	v20 =	vld [tilespmem:s20+$0x10];
	v17 =	vmul.f32 $1.442695020e+00, v17;
	(erf) = vpow2.f32 v18  }
0xaf: {  	s21 =	sadd.s32 $0x40, s21;
	v4 =	vmul.f32 v10, v4;
	v10 =	vadd.f32 v8, v2;
	p0 =	slt.u32 s25, $0x1C0;
	v1 =	vld [tilespmem:s20+$0xFFFFFFE0];
	(erf) = vpow2.f32 v14  }
0xb0: {  	v5 =	vmul.f32 v8, v5;
	v3 =	vadd.f32 v16, v3;
	v2 =	vld [tilespmem:s21+$0x10];
	(erf) = vpow2.f32 v15  }
0xb1: {  	v8 =	vmul.f32 v16, v6;
	v14 =	vld [tilespmem:s26+$0xFFFFFFF0];
	(erf) = vpow2.f32 v17  }
0xb2: {  	v18 =	vmul.f32 v13, v0;
	v6 =	vld [tilespmem:s20+$0xFFFFFFF0];
	v15 =	vsub.f32 $0.0e+00, v19;
	v16 =	vpop (erf);
	(erf) = vrcp.f32 v4  }
0xb3: {  	v4 =	vld [tilespmem:s26+$0x0];
	v13 =	vsub.f32 $0.0e+00, v20;
	v7 =	vmul.f32 v16, v7;
	v16 =	vpop (erf);
	(erf) = vrcp.f32 v5  }
0xb4: {  	v1 =	vsub.f32 $0.0e+00, v1;
	v5 =	vld [tilespmem:s20+$0x0];
	v15 =	vmul.f32 $1.442695020e+00, v15;
	v9 =	vmul.f32 v16, v9;
	v16 =	vpop (erf);
	[tilespmem:s23+$0x0] =	vst v18;
	s23 =	smov.u32 s22  }
0xb5: {  	v0 =	vmovc v3;
	v17 =	vld [tilespmem:s26+$0xFFFFFFE0];
	v2 =	vsub.f32 $0.0e+00, v2;
	v13 =	vmul.f32 $1.442695020e+00, v13;
	v11 =	vmul.f32 v16, v11  }
0xb6: {  	v16 =	vld [tilespmem:s21+$0xFFFFFFE0];
	v18 =	vmul.f32 $1.442695020e+00, v1;
	v21 =	vsub.f32 $0.0e+00, v14;
	(erf) = vpow2.f32 v15;
	v14 =	vpop (erf)  }
0xb7: {  	v15 =	vld [tilespmem:s21+$0xFFFFFFF0];
	v23 =	vsub.f32 $0.0e+00, v6;
	v22 =	vmul.f32 $1.442695020e+00, v2;
	(erf) = vpow2.f32 v13;
	v6 =	vpop (erf)  }
0xb8: {  	v20 =	vadd.f32 $1.000000000e+00, v14;
	v13 =	vmul.f32 $1.442695020e+00, v21;
	v19 =	vld [tilespmem:s21+$0x0];
	v6 =	vadd.f32 $1.000000000e+00, v6;
	v1 =	vpop (erf)  }
0xb9: {  	v4 =	vsub.f32 $0.0e+00, v4;
	v5 =	vsub.f32 $0.0e+00, v5;
	(erf) = vpow2.f32 v22;
	v2 =	vpop (erf)  }
0xba: {  	v21 =	vmul.f32 $1.442695020e+00, v23;
	v17 =	vsub.f32 $0.0e+00, v17;
	v23 =	vmul.f32 v6, v20;
	v3 =	vpop (erf)  }
0xbb: {  	v4 =	vmul.f32 $1.442695020e+00, v4;
	v16 =	vsub.f32 $0.0e+00, v16;
	v5 =	vmul.f32 $1.442695020e+00, v5;
	v22 =	vpop (erf)  }
0xbc: {  	v17 =	vmul.f32 $1.442695020e+00, v17;
	v15 =	vsub.f32 $0.0e+00, v15;
	(erf) = vrcp.f32 v23;
	v20 =	vpop (erf)  }
0xbd: {  	v16 =	vmul.f32 $1.442695020e+00, v16;
	v19 =	vsub.f32 $0.0e+00, v19;
	(erf) = vpow2.f32 v18  }
0xbe: {  	v7 =	vsub.f32 $0.0e+00, v7;
	v15 =	vmul.f32 $1.442695020e+00, v15;
	(erf) = vpow2.f32 v17  }
0xbf: {  	v9 =	vsub.f32 $0.0e+00, v9;
	v17 =	vmul.f32 $1.442695020e+00, v19;
	(erf) = vpow2.f32 v13;
	v13 =	vpop (erf)  }
0xc0: {  	v7 =	vmul.f32 $1.442695020e+00, v7;
	v11 =	vsub.f32 $0.0e+00, v11;
	(erf) = vpow2.f32 v21;
	v18 =	vpop (erf)  }
0xc1: {  	v19 =	vadd.f32 $1.000000000e+00, v13;
	v21 =	vadd.f32 $1.000000000e+00, v18;
	(erf) = vpow2.f32 v4  }
0xc2: {  	v9 =	vmul.f32 $1.442695020e+00, v9;
	v4 =	vadd.f32 $1.000000000e+00, v1;
	(erf) = vpow2.f32 v5;
	v5 =	vpop (erf)  }
0xc3: {  	v5 =	vadd.f32 $1.000000000e+00, v5;
	v19 =	vmul.f32 v21, v19;
	(erf) = vpow2.f32 v16  }
0xc4: {  	v11 =	vmul.f32 $1.442695020e+00, v11;
	v14 =	vadd.f32 v6, v14;
	(erf) = vpow2.f32 v15  }
0xc5: {  	v15 =	vmul.f32 v19, v5;
	(erf) = vpow2.f32 v17;
	v5 =	vadd.f32 $1.000000000e+00, v2;
	v16 =	vpop (erf)  }
0xc6: {  	v6 =	vadd.f32 $1.000000000e+00, v3;
	v17 =	vpop (erf);
	v19 =	vmul.f32 v16, v14;
	(erf) = vpow2.f32 v7  }
0xc7: {  	s22 =	sadd.s32 $0x40, s22;
	v12 =	vmul.f32 v22, v12;
	v7 =	vadd.f32 $1.000000000e+00, v17;
	v16 =	vpop (erf);
	(erf) = vrcp.f32 v15  }
0xc8: {  	v15 =	vsub.f32 v17, v16;
	v21 =	vadd.f32 $1.000000000e+00, v16;
	v17 =	vpop (erf);
	[tilespmem:s22+$0x10] =	vst v19;
	(erf) = vpow2.f32 v9  }
0xc9: {  	v10 =	vmul.f32 v20, v10;
	v19 =	vadd.f32 $1.000000000e+00, v17;
	v14 =	vpop (erf);
	(erf) = vpow2.f32 v11;
	[tilespmem:s23+$0xFFFFFFE0] =	vst v12  }
0xca: {  	v12 =	vmul.f32 v7, v21;
	v20 =	vsub.f32 v14, v17;
	v14 =	vadd.f32 $1.000000000e+00, v14;
	v16 =	vpop (erf)  }
0xcb: {  	v7 =	vmul.f32 $2.723200040e+01, v15;
	v15 =	vadd.f32 $1.000000000e+00, v16;
	v17 =	vpop (erf);
	[tilespmem:s23+$0xFFFFFFF0] =	vst v10;
	(erf) = vrcp.f32 v8  }
0xcc: {  	s24 =	sadd.s32 $0x40, s24;
	v8 =	vmul.f32 v14, v19;
	v21 =	vsub.f32 v17, v16;
	v14 =	vadd.f32 $1.000000000e+00, v17;
	v9 =	vpop (erf)  }
0xcd: {  	v13 =	vsub.f32 v18, v13;
	v16 =	vadd.f32 $1.000000000e+00, v9;
	v9 =	vmul.f32 $2.723200040e+01, v20;
	v17 =	vld [tilespmem:s24+$0x10];
	v11 =	vpop (erf)  }
0xce: {  	v18 =	vld [tilespmem:s24+$0xFFFFFFE0];
	v19 =	vadd.f32 $1.000000000e+00, v11;
	v11 =	vmul.f32 $2.723200040e+01, v21;
	v14 =	vmul.f32 v14, v15;
	v10 =	vpop (erf)  }
0xcf: {  	v13 =	vmul.f32 $2.723200040e+01, v13;
	v21 =	vmul.f32 v12, v16;
	v15 =	vld [tilespmem:s24+$0xFFFFFFF0];
	v16 =	vadd.f32 $1.000000000e+00, v10;
	v10 =	vpop (erf)  }
0xd0: {  	v19 =	vmul.f32 v8, v19;
	v20 =	vld [tilespmem:s24+$0x0];
	v8 =	vpop (erf);
	v10 =	vadd.f32 $1.000000000e+00, v10  }
.Ltmp0:
0xd1: {  	v14 =	vmul.f32 v14, v16;
	v22 =	vmul.f32 v8, v13;
	v8 =	vpop (erf);
	(pc) =	sbr.rel @p0 .LBB2_2-.Ltmp0, $4  }
0xd2: {  	v16 =	vsub.f32 $0.0e+00, v17;
	(erf) = vrcp.f32 v21;
	v8 =	vadd.f32 $1.000000000e+00, v8;
	v12 =	vpop (erf)  }
0xd3: {  	v17 =	vsub.f32 $0.0e+00, v18;
	v18 =	vsub.f32 $0.0e+00, v22;
	(erf) = vrcp.f32 v19  }
0xd4: {  	v15 =	vsub.f32 $0.0e+00, v15;
	v16 =	vmul.f32 $1.442695020e+00, v16;
	(erf) = vrcp.f32 v14;
	v13 =	vpop (erf)  }
0xd5: {  	s26 =	sadd.s32 $0x40, s26;
	v14 =	vmul.f32 $1.442695020e+00, v17;
	v17 =	vsub.f32 $0.0e+00, v20;
	v18 =	vmul.f32 $1.442695020e+00, v18  }
0xd6: {  	(erf) = vpow2.f32 v16  }
0xd7: {  	(erf) = vpow2.f32 v18;
	_ =	sdelay $0x4  }
0xd8: {  	v35 =	vpop (erf)  }
0xd9: {  	v15 =	vmul.f32 $1.442695020e+00, v15;
	v36 =	vpop (erf)  }
0xda: {  	v4 =	vmul.f32 v10, v4;
	v5 =	vmul.f32 v8, v5;
	v37 =	vpop (erf)  }
0xdb: {  	v17 =	vmul.f32 $1.442695020e+00, v17;
	(erf) = vpow2.f32 v14;
	v38 =	vpop (erf)  }
0xdc: {  	v7 =	vmul.f32 v35, v7;
	(erf) = vpow2.f32 v15;
	v39 =	vpop (erf)  }
0xdd: {  	v9 =	vmul.f32 v36, v9;
	v40 =	vadd.f32 $1.000000000e+00, v38;
	v16 =	vadd.f32 $1.000000000e+00, v39  }
0xde: {  	(erf) = vpow2.f32 v17;
	v11 =	vmul.f32 v37, v11;
	v7 =	vsub.f32 $0.0e+00, v7  }
0xdf: {  	(erf) = vrcp.f32 v4;
	v9 =	vsub.f32 $0.0e+00, v9;
	v41 =	vmul.f32 v16, v40  }
0xe0: {  	(erf) = vrcp.f32 v5;
	v42 =	vmul.f32 $1.442695020e+00, v7;
	v43 =	vsub.f32 $0.0e+00, v11  }
0xe1: {  	v44 =	vmul.f32 $1.442695020e+00, v9;
	(erf) = vrcp.f32 v41  }
0xe2: {  	v7 =	vmul.f32 $1.442695020e+00, v43;
	(erf) = vpow2.f32 v42  }
0xe3: {  	(erf) = vpow2.f32 v44  }
0xe4: {  	(erf) = vpow2.f32 v7  }
0xe5: {  	v45 =	vpop (erf)  }
0xe6: {  	v46 =	vpop (erf)  }
0xe7: {  	v47 =	vpop (erf)  }
0xe8: {  	v48 =	vpop (erf)  }
0xe9: {  	v49 =	vpop (erf)  }
0xea: {  	v50 =	vpop (erf)  }
0xeb: {  	v12 =	vadd.f32 $1.000000000e+00, v12;
	v51 =	vpop (erf)  }
0xec: {  	v52 =	vadd.f32 $1.000000000e+00, v45;
	v17 =	vadd.f32 $1.000000000e+00, v51;
	v19 =	vpop (erf)  }
0xed: {  	v6 =	vmul.f32 v12, v6;
	v20 =	vadd.f32 $1.000000000e+00, v46;
	v19 =	vadd.f32 $1.000000000e+00, v19;
	v21 =	vpop (erf)  }
0xee: {  	v22 =	vadd.f32 $1.000000000e+00, v47;
	v21 =	vadd.f32 $1.000000000e+00, v21;
	v18 =	vmul.f32 v17, v52  }
0xef: {  	(erf) = vrcp.f32 v6;
	v53 =	vmul.f32 v19, v20  }
0xf0: {  	(erf) = vrcp.f32 v18;
	v54 =	vmul.f32 v21, v22  }
0xf1: {  	(erf) = vrcp.f32 v53  }
0xf2: {  	(erf) = vrcp.f32 v54;
	_ =	sdelay $0x1  }
0xf3: {  	v1 =	vadd.f32 v10, v1  }
0xf4: {  	v0 =	vmul.f32 v13, v0;
	v2 =	vadd.f32 v8, v2  }
0xf5: {  	v55 =	vadd.f32 v16, v38;
	v56 =	vmul.f32 v48, v1  }
0xf6: {  	v3 =	vadd.f32 v12, v3;
	[tilespmem:s23+$0x0] =	vst v0;
	v57 =	vmul.f32 v49, v2  }
0xf7: {  	[tilespmem:s22+$0xFFFFFFE0] =	vst v56;
	v6 =	vmul.f32 v50, v55;
	v58 =	vpop (erf);
	v4 =	vadd.f32 v17, v45  }
0xf8: {  	s20 =	sadd.s32 $0x40, s22;
	[tilespmem:s22+$0xFFFFFFF0] =	vst v57;
	v59 =	vadd.f32 v19, v46;
	v2 =	vmul.f32 v58, v3;
	v60 =	vpop (erf)  }
0xf9: {  	[tilespmem:s20+$0x10] =	vst v6;
	v61 =	vadd.f32 v21, v47;
	v62 =	vpop (erf);
	v3 =	vmul.f32 v60, v4  }
0xfa: {  	[tilespmem:s22+$0x0] =	vst v2;
	v0 =	vmul.f32 v62, v59;
	v63 =	vpop (erf)  }
0xfb: {  	s19 =	sadd.s32 $0x1, s19;
	[tilespmem:s20+$0xFFFFFFE0] =	vst v3;
	v1 =	vmul.f32 v63, v61  }
0xfc: {  	p0 =	sne.s32 s19, s10;
	[tilespmem:s20+$0xFFFFFFF0] =	vst v0  }
.Ltmp1:
0xfd: {  	[tilespmem:s20+$0x0] =	vst v1;
	(pc) =	sbr.rel @p0 .LBB2_1-.Ltmp1, $4  }
0xfe: {  	[hbm4b:s9+s2] =	stream.linear.scatter [tilespmem:s18], [sflag:$0x2], $0x200, $0x38;
	[tilespmem:$0xE00] =	vst v63  }
0xff: {  	_ =	swait.ge [sflag:s11], $0x200  }
0x100: {  	[sflag:s11] =	ssyncset.done $0x0  }
0x101: {  	[sflag:s11] =	ssyncadd.s32 $0xFFFFFE00  }
0x102: {  	_ =	sfence.sel $0x180000  }
0x103: {  	[bflag:$0x0] =	sbarrier.arrive $0xFFFF  }
0x104: {  	p0 =	sne.s32 s3, $0x0;
	_ =	strace $0x90000047  }
0x105: {  	s0 =	sadd.s32 @!p0 $0x100000, s0;
	[bflag:$0x2] =	sbarrier.arrive $0xFFFF  }
0x106: {  	[sflag:s0] =	ssyncadd.tile.s32 @!p0 $0x1;
	_ =	shalt  }
.Lfunc_end2:
_tile_overlayer_lowered:
.L_overlay_start_2:
0x107: {  	(tag) =	ssettag $0x2  }
0x108: {  	s0 =	rddreg [dreg:$0x0];
	s2 =	stileid.u32  }
0x109: {  	s1 =	rddreg [dreg:$0x1];
	p0 =	sne.s32 s2, $0x0  }
0x10a: {  	s3 =	rddreg [dreg:$0x2];
	[bflag:$0x3] =	sbarrier.arrive $0xFFFF;
	s2 =	simm.s32 @!p0 $0x1C02  }
0x10b: {  	[timem:s3], [sflag:s2] =	dma.local @!p0 [hbm:s0], s1  }
0x10c: {  	s0 =	simm.s32 @!p0 $0x2  }
0x10d: {  	_ =	swait.ge @!p0 [sflag:s0], s1  }
0x10e: {  	s1 =	ssub.s32 @!p0 $0x0, s1;
	[sflag:s0] =	ssyncset.done @!p0 $0x0  }
0x10f: {  	[sflag:s0] =	ssyncadd.s32 @!p0 s1  }
0x110: {  	[bflag:$0x3] =	sbarrier.arrive $0xFFFF  }
0x111: {  	_ =	shalt  }

</sc_bundles>
